<compile_context>
chip_gen: v7x
topology: tpu7x:2x2x1
jax: 0.10.2.dev20260603
libtpu: 0.0.44.dev20260713+nightly
codegen_flags: <defaults>
</compile_context>

<pallas_src>
import jax
import jax.numpy as jnp
from jax.experimental import pallas as pl

_NUM_CLASSES = 128
_ROWS_PER_BLOCK = 12800


def _class_sum(e):
    a = e[0:8]
    for i in range(1, 16):
        a = a + e[8 * i:8 * i + 8]
    b = a[0:4] + a[4:8]
    c = b[0:2] + b[2:4]
    return c[0:1] + c[1:2]


def _ce_block(x_ref, t_ref, o_ref):
    x = x_ref[...]
    t = t_ref[...]
    xt = jnp.transpose(x)
    x_max = jnp.max(xt, axis=0, keepdims=True)
    shifted = xt - x_max
    lse = jnp.log(_class_sum(jnp.exp(shifted)))
    cls = jax.lax.broadcasted_iota(jnp.int32, xt.shape, 0)
    xt_t = jnp.sum(jnp.where(cls == t, xt, 0.0), axis=0, keepdims=True)
    shifted_t = xt_t - x_max
    o_ref[...] = -(shifted_t - lse)


def kernel(inputs, targets):
    n = targets.shape[0]
    r = _ROWS_PER_BLOCK
    t2 = targets.astype(jnp.int32).reshape(1, n)
    ps = pl.pallas_call(
        _ce_block,
        grid=(n // r,),
        in_specs=[
            pl.BlockSpec((r, _NUM_CLASSES), lambda i: (i, 0)),
            pl.BlockSpec((1, r), lambda i: (0, i)),
        ],
        out_specs=pl.BlockSpec((1, r), lambda i: (0, i)),
        out_shape=jax.ShapeDtypeStruct((1, n), jnp.float32),
    )(inputs, t2)
    per_sample = jax.lax.optimization_barrier(ps.reshape(n))
    per_class_sum = jax.ops.segment_sum(per_sample, targets,
                                        num_segments=_NUM_CLASSES)
    incorrect_loss = jnp.sum(per_class_sum) / n
    correct_loss = jnp.mean(per_sample)
    return jnp.abs(incorrect_loss - correct_loss)

# --- scband reference (transcript-rebuilt; emitter-appended) ---
"""Pipeline reference for scband-my-model-61933428410031 (READ-ONLY COPY).

The authoritative reference and input builder live on the scoring server;
editing this copy changes nothing except your own understanding.
"""

import jax, jax.numpy as jnp
import numpy as np

NUM_CLASSES = 128


def setup_inputs(seed: int = 0) -> dict:
    key = jax.random.key(seed)
    k1, k2 = jax.random.split(key)
    inputs = jax.random.normal(k1, (320000, 128), dtype=jnp.float32)
    targets = jax.random.randint(k2, (320000,), 0, 128, dtype=jnp.int64)
    return {"inputs": inputs, "targets": targets}


def reference(inputs, targets):
    N = targets.shape[0]
    # per-sample cross entropy (no reduction)
    logp = jax.nn.log_softmax(inputs, axis=-1)
    per_sample = -jnp.take_along_axis(logp, targets[:, None], axis=1).squeeze(1)
    # the torch loop computes, per class i, the SUM of CE over samples with
    # target==i, then accumulates over classes -> a segment_sum over targets
    per_class_sum = jax.ops.segment_sum(per_sample, targets, num_segments=NUM_CLASSES)
    incorrect_loss = jnp.sum(per_class_sum) / N
    # F.cross_entropy default reduction='mean'
    correct_loss = jnp.mean(per_sample)
    return jnp.abs(incorrect_loss - correct_loss)

if __name__ == "__main__":
    import jax
    _d = setup_inputs()
    print(jax.jit(kernel)(*tuple(_d.values())))

</pallas_src>

<mosaic_0001>
module attributes {stable_mosaic.version = 14 : i64} {
  func.func @_ce_block(%arg0: i32, %arg1: memref<12800x128xf32, #tpu.memory_space<vmem>>, %arg2: memref<1x12800xi32, #tpu.memory_space<vmem>>, %arg3: memref<1x12800xf32, #tpu.memory_space<vmem>>) attributes {dimension_semantics = [#tpu.dimension_semantics<arbitrary>], iteration_bounds = array<i64: 25>, scalar_prefetch = 0 : i64, scratch_operands = 0 : i64, tpu.core_type = #tpu.core_type<tc>, window_params = [{transform_indices = @transform_0, window_bounds = array<i64: 12800, 128>}, {transform_indices = @transform_1, window_bounds = array<i64: 1, 12800>}, {transform_indices = @transform_2, window_bounds = array<i64: 1, 12800>}]} {
    %get3A = arith.constant 0 : index
    %get3A_0 = arith.constant 0 : index
    %get3A_1 = vector.load %arg1[%get3A, %get3A_0] : memref<12800x128xf32, #tpu.memory_space<vmem>>, vector<12800x128xf32>
    %get3A_2 = arith.constant 0 : index
    %get3A_3 = arith.constant 0 : index
    %get3A_4 = vector.load %arg2[%get3A_2, %get3A_3] : memref<1x12800xi32, #tpu.memory_space<vmem>>, vector<1x12800xi32>
    %transpose3A = tpu.transpose %get3A_1, [1, 0] : vector<12800x128xf32> -> vector<128x12800xf32>
    %reduce_max3A = arith.constant dense<0xFF800000> : vector<12800xf32>
    %reduce_max3A_5 = vector.multi_reduction <maximumf>, %transpose3A, %reduce_max3A [0] : vector<128x12800xf32> to vector<12800xf32>
    %broadcast_in_dim3A = vector.shape_cast %reduce_max3A_5 : vector<12800xf32> to vector<1x12800xf32>
    %sub3A = vector.broadcast %broadcast_in_dim3A : vector<1x12800xf32> to vector<128x12800xf32>
    %sub3A_6 = arith.subf %transpose3A, %sub3A : vector<128x12800xf32>
    %exp3A = math.exp %sub3A_6 : vector<128x12800xf32>
    %slice3A = vector.extract_strided_slice %exp3A {offsets = [0, 0], sizes = [8, 12800], strides = [1, 1]} : vector<128x12800xf32> to vector<8x12800xf32>
    %slice3A_7 = vector.extract_strided_slice %exp3A {offsets = [8, 0], sizes = [8, 12800], strides = [1, 1]} : vector<128x12800xf32> to vector<8x12800xf32>
    %add3A = arith.addf %slice3A, %slice3A_7 : vector<8x12800xf32>
    %slice3A_8 = vector.extract_strided_slice %exp3A {offsets = [16, 0], sizes = [8, 12800], strides = [1, 1]} : vector<128x12800xf32> to vector<8x12800xf32>
    %add3A_9 = arith.addf %add3A, %slice3A_8 : vector<8x12800xf32>
    %slice3A_10 = vector.extract_strided_slice %exp3A {offsets = [24, 0], sizes = [8, 12800], strides = [1, 1]} : vector<128x12800xf32> to vector<8x12800xf32>
    %add3A_11 = arith.addf %add3A_9, %slice3A_10 : vector<8x12800xf32>
    %slice3A_12 = vector.extract_strided_slice %exp3A {offsets = [32, 0], sizes = [8, 12800], strides = [1, 1]} : vector<128x12800xf32> to vector<8x12800xf32>
    %add3A_13 = arith.addf %add3A_11, %slice3A_12 : vector<8x12800xf32>
    %slice3A_14 = vector.extract_strided_slice %exp3A {offsets = [40, 0], sizes = [8, 12800], strides = [1, 1]} : vector<128x12800xf32> to vector<8x12800xf32>
    %add3A_15 = arith.addf %add3A_13, %slice3A_14 : vector<8x12800xf32>
    %slice3A_16 = vector.extract_strided_slice %exp3A {offsets = [48, 0], sizes = [8, 12800], strides = [1, 1]} : vector<128x12800xf32> to vector<8x12800xf32>
    %add3A_17 = arith.addf %add3A_15, %slice3A_16 : vector<8x12800xf32>
    %slice3A_18 = vector.extract_strided_slice %exp3A {offsets = [56, 0], sizes = [8, 12800], strides = [1, 1]} : vector<128x12800xf32> to vector<8x12800xf32>
    %add3A_19 = arith.addf %add3A_17, %slice3A_18 : vector<8x12800xf32>
    %slice3A_20 = vector.extract_strided_slice %exp3A {offsets = [64, 0], sizes = [8, 12800], strides = [1, 1]} : vector<128x12800xf32> to vector<8x12800xf32>
    %add3A_21 = arith.addf %add3A_19, %slice3A_20 : vector<8x12800xf32>
    %slice3A_22 = vector.extract_strided_slice %exp3A {offsets = [72, 0], sizes = [8, 12800], strides = [1, 1]} : vector<128x12800xf32> to vector<8x12800xf32>
    %add3A_23 = arith.addf %add3A_21, %slice3A_22 : vector<8x12800xf32>
    %slice3A_24 = vector.extract_strided_slice %exp3A {offsets = [80, 0], sizes = [8, 12800], strides = [1, 1]} : vector<128x12800xf32> to vector<8x12800xf32>
    %add3A_25 = arith.addf %add3A_23, %slice3A_24 : vector<8x12800xf32>
    %slice3A_26 = vector.extract_strided_slice %exp3A {offsets = [88, 0], sizes = [8, 12800], strides = [1, 1]} : vector<128x12800xf32> to vector<8x12800xf32>
    %add3A_27 = arith.addf %add3A_25, %slice3A_26 : vector<8x12800xf32>
    %slice3A_28 = vector.extract_strided_slice %exp3A {offsets = [96, 0], sizes = [8, 12800], strides = [1, 1]} : vector<128x12800xf32> to vector<8x12800xf32>
    %add3A_29 = arith.addf %add3A_27, %slice3A_28 : vector<8x12800xf32>
    %slice3A_30 = vector.extract_strided_slice %exp3A {offsets = [104, 0], sizes = [8, 12800], strides = [1, 1]} : vector<128x12800xf32> to vector<8x12800xf32>
    %add3A_31 = arith.addf %add3A_29, %slice3A_30 : vector<8x12800xf32>
    %slice3A_32 = vector.extract_strided_slice %exp3A {offsets = [112, 0], sizes = [8, 12800], strides = [1, 1]} : vector<128x12800xf32> to vector<8x12800xf32>
    %add3A_33 = arith.addf %add3A_31, %slice3A_32 : vector<8x12800xf32>
    %slice3A_34 = vector.extract_strided_slice %exp3A {offsets = [120, 0], sizes = [8, 12800], strides = [1, 1]} : vector<128x12800xf32> to vector<8x12800xf32>
    %add3A_35 = arith.addf %add3A_33, %slice3A_34 : vector<8x12800xf32>
    %slice3A_36 = vector.extract_strided_slice %add3A_35 {offsets = [0, 0], sizes = [4, 12800], strides = [1, 1]} : vector<8x12800xf32> to vector<4x12800xf32>
    %slice3A_37 = vector.extract_strided_slice %add3A_35 {offsets = [4, 0], sizes = [4, 12800], strides = [1, 1]} : vector<8x12800xf32> to vector<4x12800xf32>
    %add3A_38 = arith.addf %slice3A_36, %slice3A_37 : vector<4x12800xf32>
    %slice3A_39 = vector.extract_strided_slice %add3A_38 {offsets = [0, 0], sizes = [2, 12800], strides = [1, 1]} : vector<4x12800xf32> to vector<2x12800xf32>
    %slice3A_40 = vector.extract_strided_slice %add3A_38 {offsets = [2, 0], sizes = [2, 12800], strides = [1, 1]} : vector<4x12800xf32> to vector<2x12800xf32>
    %add3A_41 = arith.addf %slice3A_39, %slice3A_40 : vector<2x12800xf32>
    %slice3A_42 = vector.extract_strided_slice %add3A_41 {offsets = [0, 0], sizes = [1, 12800], strides = [1, 1]} : vector<2x12800xf32> to vector<1x12800xf32>
    %slice3A_43 = vector.extract_strided_slice %add3A_41 {offsets = [1, 0], sizes = [1, 12800], strides = [1, 1]} : vector<2x12800xf32> to vector<1x12800xf32>
    %add3A_44 = arith.addf %slice3A_42, %slice3A_43 : vector<1x12800xf32>
    %log3A = math.log %add3A_44 : vector<1x12800xf32>
    %iota3A = tpu.iota {dimensions = array<i32: 0>} : vector<128x12800xi32>
    %eq3A = vector.broadcast %get3A_4 : vector<1x12800xi32> to vector<128x12800xi32>
    %eq3A_45 = arith.cmpi eq, %iota3A, %eq3A : vector<128x12800xi32>
    %jit3A = arith.constant 0.000000e+00 : f32
    %broadcast_in_dim3A_46 = vector.broadcast %jit3A : f32 to vector<128x12800xf32>
    %select_n3A = arith.select %eq3A_45, %transpose3A, %broadcast_in_dim3A_46 : vector<128x12800xi1>, vector<128x12800xf32>
    %reduce_sum3A = arith.constant dense<0.000000e+00> : vector<12800xf32>
    %reduce_sum3A_47 = vector.multi_reduction <add>, %select_n3A, %reduce_sum3A [0] : vector<128x12800xf32> to vector<12800xf32>
    %broadcast_in_dim3A_48 = vector.shape_cast %reduce_sum3A_47 : vector<12800xf32> to vector<1x12800xf32>
    %sub3A_49 = arith.subf %broadcast_in_dim3A_48, %broadcast_in_dim3A : vector<1x12800xf32>
    %sub3A_50 = arith.subf %sub3A_49, %log3A : vector<1x12800xf32>
    %neg3A = arith.constant 0.000000e+00 : f32
    %neg3A_51 = vector.broadcast %neg3A : f32 to vector<1x12800xf32>
    %neg3A_52 = arith.subf %neg3A_51, %sub3A_50 : vector<1x12800xf32>
    %swap3A = arith.constant 0 : index
    %swap3A_53 = arith.constant 0 : index
    %swap3A_54 = vector.load %arg3[%swap3A, %swap3A_53] : memref<1x12800xf32, #tpu.memory_space<vmem>>, vector<1x12800xf32>
    tpu.vector_store %arg3[%swap3A, %swap3A_53], %neg3A_52 {strides = array<i32>} : memref<1x12800xf32, #tpu.memory_space<vmem>>, vector<1x12800xf32>,
    return
  }
  func.func @transform_0(%arg0: i32) -> (i32, i32) {
    %c0_i32 = arith.constant 0 : i32
    %c0_i32_0 = arith.constant 0 : i32
    return %arg0, %c0_i32 : i32, i32
  }
  func.func @transform_1(%arg0: i32) -> (i32, i32) {
    %c0_i32 = arith.constant 0 : i32
    %c0_i32_0 = arith.constant 0 : i32
    return %c0_i32, %arg0 : i32, i32
  }
  func.func @transform_2(%arg0: i32) -> (i32, i32) {
    %c0_i32 = arith.constant 0 : i32
    %c0_i32_0 = arith.constant 0 : i32
    return %c0_i32, %arg0 : i32, i32
  }
}

</mosaic_0001>

<sc_bundles>
// kernel: scatter_offload_async_start
scs
__scs_entry_jumppad:
0x0: {  	(pc) =	sbr.rel $0x88, $3  }
0x1: {  	(tag) =	ssettag $0x0;
	lr =	simm.s32 $0x1  }
0x2: {  	[smem:$0x3F9F] =	sst lr;
	_ =	strace $0xD0000000  }
0x3: {  	_ = 	snop  }
0x4: {  	_ = 	snop  }
0x5: {  	_ = 	snop  }
0x6: {  	_ = 	snop  }
0x7: {  	_ = 	snop  }
__scs_overlays_trampoline_lowered:
0x8: {  	[smem:$0x3FAE] =	sst s0  }
0x9: {  	[smem:$0x3FAF] =	sst s1  }
0xa: {  	[smem:$0x3FB0] =	sst s2  }
0xb: {  	[smem:$0x3FB1] =	sst s3  }
0xc: {  	[smem:$0x3FB2] =	sst s4  }
0xd: {  	[smem:$0x3FB3] =	sst s5  }
0xe: {  	[smem:$0x3FB4] =	sst s6  }
0xf: {  	[smem:$0x3FB5] =	sst s7  }
0x10: {  	[smem:$0x3FB6] =	sst s8  }
0x11: {  	[smem:$0x3FB7] =	sst s9;
	s0 =	simm.s32 @!p0 $0x0  }
0x12: {  	s1 =	sld [smem:$0x3F9D];
	s0 =	simm.s32 @p0 $0x1  }
0x13: {  	[smem:$0x3FB8] =	sst s0;
	s0 =	simm.s32 @!p1 $0x0  }
0x14: {  	s2 =	sld [smem:$0x3F9C];
	s0 =	simm.s32 @p1 $0x1  }
0x15: {  	[smem:$0x3FB9] =	sst s0;
	s0 =	simm.s32 @!p2 $0x0  }
0x16: {  	s3 =	sld [smem:$0x3FDB];
	s0 =	simm.s32 @p2 $0x1  }
0x17: {  	s4 =	simm.s32 $0x1BF5;
	[smem:$0x3FBB] =	sst s0  }
0x18: {  	s0 =	sld [smem:$0x3F9E];
	_ =	swait.ge [sflag:s4], $0x0  }
0x19: {  	s7 =	sld [smem:$0x3F9F]  }
0x1a: {  	s8 =	sadd.s32 $0xFFFFE003, lr  }
0x1b: {  	s9 =	sadd.s32 $0xFFFFFEF7, lr;
	s5 =	simm.s32 $0xFFFFFFFF;
	p2 =	slt.u32 s8, $0xFFFFF086  }
0x1c: {  	p1 =	slt.u32 s9, $0xF7A;
	s5 =	simm.s32 @!p2 $0x0  }
0x1d: {  	s5 =	simm.s32 @p1 $0x1;
	p0 =	seq.s32 s7, s2  }
0x1e: {  	s7 =	smul.u32 @!p0 $0xF7A, s2;
	p2 =	seq.s32 @!p0 s5, $0x0  }
0x1f: {  	s9 =	smul.u32 $0xF7A, s1;
	s8 =	simm.s32 @!p0 $0x1BF5;
	p2 =	por !p2, p0  }
0x20: {  	[sflag:s8] =	ssyncset.s32 @!p0 $0xFFFFF086;
	s6 =	sadd.s32 @!p0 s3, s7;
	s7 =	simm.s32 @!p0 $0x108  }
0x21: {  	s3 =	sadd.s32 s3, s9;
	s6 =	sadd.s32 @!p0 $0x88, s6;
	s7 =	simm.s32 @p2 $0x1082  }
0x22: {  	[simem:s7], [sflag:s8] =	dma.local @!p0 [hbm:s6], $0xF7A  }
0x23: {  	s9 =	sor.u32 $0xD0000000, s2;
	s6 =	simm.s32 $0x108;
	_ =	swait.ge @!p0 [sflag:s8], $0x0  }
0x24: {  	s3 =	sadd.s32 $0x88, s3;
	s6 =	simm.s32 @!p1 $0x1082;
	[sflag:s4] =	ssyncset.s32 $0xFFFFF086  }
0x25: {  	[simem:s6], [sflag:s4] =	dma.local [hbm:s3], $0xF7A  }
0x26: {  	[smem:$0x3F9F] =	sst s1;
	(tag) =	ssettag s2;
	_ =	strace s9  }
0x27: {  	s1 =	sld [smem:$0x3FAF]  }
0x28: {  	s2 =	sld [smem:$0x3FB0]  }
0x29: {  	s4 =	sld [smem:$0x3FB2]  }
0x2a: {  	p0 =	seq.s32 s5, $0x0;
	s5 =	sld [smem:$0x3FB3]  }
0x2b: {  	s6 =	sld [smem:$0x3FB4]  }
0x2c: {  	s7 =	sld [smem:$0x3FB5]  }
0x2d: {  	s3 =	simm.s32 $0x108;
	s8 =	sld [smem:$0x3FB6]  }
0x2e: {  	s3 =	simm.s32 @!p0 $0x1082;
	s9 =	sld [smem:$0x3FB7]  }
0x2f: {  	lr =	sadd.s32 s0, s3;
	s0 =	sld [smem:$0x3FAE]  }
0x30: {  	s3 =	sld [smem:$0x3FB1]  }
0x31: {  	[smem:$0x3FBA] =	sst s10  }
0x32: {  	s10 =	sld [smem:$0x3FB8];
	_ =	sdelay $0x3  }
0x33: {  	p0 =	seq.s32 s10, $0x1;
	s10 =	sld [smem:$0x3FBA];
	_ =	sdelay $0x3  }
0x34: {  	[smem:$0x3FBA] =	sst s10  }
0x35: {  	s10 =	sld [smem:$0x3FB9];
	_ =	sdelay $0x3  }
0x36: {  	p1 =	seq.s32 s10, $0x1;
	s10 =	sld [smem:$0x3FBA];
	_ =	sdelay $0x3  }
0x37: {  	[smem:$0x3FBA] =	sst s10  }
0x38: {  	s10 =	sld [smem:$0x3FBB]  }
0x39: {  	_ = 	snop;
	(pc) =	sbr.ind lr, $3  }
0x3a: {  	_ = 	snop  }
0x3b: {  	_ = 	snop  }
0x3c: {  	p2 =	seq.s32 s10, $0x1;
	s10 =	sld [smem:$0x3FBA]  }
0x3d: {  	_ =	shalt  }
0x3e: {  	_ =	shalt  }
0x3f: {  	_ =	shalt  }
0x40: {  	_ =	shalt  }
0x41: {  	_ =	shalt  }
0x42: {  	_ =	shalt  }
0x43: {  	_ =	shalt  }
0x44: {  	_ =	shalt  }
0x45: {  	_ =	shalt  }
0x46: {  	_ =	shalt  }
0x47: {  	_ =	shalt  }
0x48: {  	_ =	shalt  }
0x49: {  	_ =	shalt  }
0x4a: {  	_ =	shalt  }
0x4b: {  	_ =	shalt  }
0x4c: {  	_ =	shalt  }
0x4d: {  	_ =	shalt  }
0x4e: {  	_ =	shalt  }
0x4f: {  	_ =	shalt  }
0x50: {  	_ =	shalt  }
0x51: {  	_ =	shalt  }
0x52: {  	_ =	shalt  }
0x53: {  	_ =	shalt  }
0x54: {  	_ =	shalt  }
0x55: {  	_ =	shalt  }
0x56: {  	_ =	shalt  }
0x57: {  	_ =	shalt  }
0x58: {  	_ =	shalt  }
0x59: {  	_ =	shalt  }
0x5a: {  	_ =	shalt  }
0x5b: {  	_ =	shalt  }
0x5c: {  	_ =	shalt  }
0x5d: {  	_ =	shalt  }
0x5e: {  	_ =	shalt  }
0x5f: {  	_ =	shalt  }
0x60: {  	_ =	shalt  }
0x61: {  	_ =	shalt  }
0x62: {  	_ =	shalt  }
0x63: {  	_ =	shalt  }
0x64: {  	_ =	shalt  }
0x65: {  	_ =	shalt  }
0x66: {  	_ =	shalt  }
0x67: {  	_ =	shalt  }
0x68: {  	_ =	shalt  }
0x69: {  	_ =	shalt  }
0x6a: {  	_ =	shalt  }
0x6b: {  	_ =	shalt  }
0x6c: {  	_ =	shalt  }
0x6d: {  	_ =	shalt  }
0x6e: {  	_ =	shalt  }
0x6f: {  	_ =	shalt  }
0x70: {  	_ =	shalt  }
0x71: {  	_ =	shalt  }
0x72: {  	_ =	shalt  }
0x73: {  	_ =	shalt  }
0x74: {  	_ =	shalt  }
0x75: {  	_ =	shalt  }
0x76: {  	_ =	shalt  }
0x77: {  	_ =	shalt  }
0x78: {  	_ =	shalt  }
0x79: {  	_ =	shalt  }
0x7a: {  	_ =	shalt  }
0x7b: {  	_ =	shalt  }
0x7c: {  	_ =	shalt  }
0x7d: {  	_ =	shalt  }
0x7e: {  	_ =	shalt  }
0x7f: {  	_ =	shalt  }
0x80: {  	_ =	shalt  }
0x81: {  	_ =	shalt  }
0x82: {  	_ =	shalt  }
0x83: {  	_ =	shalt  }
0x84: {  	_ =	shalt  }
0x85: {  	_ =	shalt  }
0x86: {  	_ =	shalt  }
0x87: {  	_ =	shalt  }
.Lfunc_end0:
.L_simem_size_0:
called_computation_lowered:
.L_overlay_start_0:
0x88: {  	s0 =	sld [smem:$0x3FD9]  }
0x89: {  	s1 =	sld [smem:$0x3FFE];
	_ =	sdelay $0x3  }
0x8a: {  	s0 =	sadd.s32 s1, s0  }
0x8b: {  	[smem:$0x3FC6] =	sst s0  }
0x8c: {  	_ = 	snop  }
0x8d: {  	s0 =	sld [smem:$0x3FD0];
	(tm) =	ssettm $0x1  }
0x8e: {  	s16 =	sld [smem:$0x3FFB];
	_ =	sdelay $0x3  }
0x8f: {  	_ =	strace s16  }
0x90: {  	s1 =	sld [smem:$0x3FFC];
	_ =	sdelay $0x3  }
0x91: {  	_ =	strace s1  }
0x92: {  	s1 =	sld [smem:$0x3FFD];
	_ =	sdelay $0x3  }
0x93: {  	_ =	strace s1  }
0x94: {  	_ =	strace $0x8FFFFFFF  }
0x95: {  	s17 =	sld [smem:$0x3FDB];
	_ =	sdelay $0x1  }
0x96: {  	s2 =	simm.s32 $_scs_section_size  }
0x97: {  	s3 =	simm.s32 $_size__tile_overlayer_lowered;
	s4 =	simm.s32 $_tile_overlayer_lowered  }
0x98: {  	s20 =	simm.s32 $0x1BFF;
	s19 =	sshll.u32 s4, $0x1;
	s1 =	sadd.s32 s2, s17  }
0x99: {  	s5 =	simm.s32 $0x0;
	s18 =	sshll.u32 s3, $0x1;
	s3 =	sadd.s32 s19, s1  }
0x9a: {  	[timem:s5], [sflag:s20] =	dma.local [hbm:s3], s18  }
0x9b: {  	_ =	swait.ge [sflag:s20], s18  }
0x9c: {  	s2 =	ssub.s32 $0x0, s18;
	[sflag:s20] =	ssyncset.done $0x0  }
0x9d: {  	[sflag:s20] =	ssyncadd.s32 s2;
	_ =	sdelay $0x1  }
0x9e: {  	s21 =	simm.s32 $0x1B8B  }
0x9f: {  	_ =	swait.ge [sflag:s21], $0x1  }
0xa0: {  	[sflag:s21] =	ssyncset.done $0x0  }
0xa1: {  	s23 =	simm.s32 $0x1B8E;
	s22 =	sld [smem:$0x3FFE];
	[sflag:s21] =	ssyncadd.s32 $0xFFFFFFFF  }
0xa2: {  	s24 =	simm.s32 $execute0_lowered;
	[smem:$0x3FD2] =	sst s23  }
0xa3: {  	s3 =	sshll.u32 s24, $0x1;
	_ =	strace $0x80000046;
	[dreg:$0x1] =	wrdreg $0xFFFFFFFF  }
0xa4: {  	s25 =	simm.s32 $_size_execute0_lowered;
	s1 =	sadd.s32 s1, s3;
	[dreg:$0x0] =	wrdreg $0x0  }
0xa5: {  	s3 =	sshll.u32 s25, $0x1;
	[dreg:$0x2] =	wrdreg s1  }
0xa6: {  	[dreg:$0x3] =	wrdreg s3  }
0xa7: {  	[dreg:$0x4] =	wrdreg $0xC0  }
0xa8: {  	_ =	task [dreg:s5], $0x5FFFF  }
0xa9: {  	[dreg:$0x1] =	wrdreg $0xFFFFFFFF  }
0xaa: {  	[dreg:$0x0] =	wrdreg $0x60  }
0xab: {  	[dreg:$0x2] =	wrdreg s0  }
0xac: {  	[dreg:$0x3] =	wrdreg s22  }
0xad: {  	[dreg:$0x4] =	wrdreg $0x9  }
0xae: {  	_ =	task.clear_ibuf [dreg:s5], $0x5FFFF;
	_ =	strace $0x90000046  }
0xaf: {  	s26 =	simm.s32 $0x9;
	_ =	strace $0x80000048  }
0xb0: {  	_ =	swait.ge [sflag:s26], $0x1  }
0xb1: {  	[sflag:s26] =	ssyncadd.s32 $0xFFFFFFFF  }
0xb2: {  	_ =	strace $0x90000048  }
0xb3: {  	_ =	sfence  }
0xb4: {  	s28 =	sld [smem:$0x0];
	_ =	sdelay $0x1  }
0xb5: {  	s29 =	srdreg.scid  }
0xb6: {  	s30 =	sshll.u32 s29, $0xD;
	s31 =	sshrl.u32 s29, $0x2  }
0xb7: {  	s2 =	sand.u32 $0x4000, s30;
	s1 =	sand.u32 $0x1, s29;
	s0 =	sadd.s32 s31, s28  }
0xb8: {  	s1 =	sor.u32 s2, s1;
	s0 =	sshll.u32 s0, $0x11  }
0xb9: {  	s0 =	sor.u32 s0, s1  }
0xba: {  	s0 =	sadd.s32 $0x8F2B, s0  }
0xbb: {  	[sflag:s0] =	ssyncadd.remote.s32 $0x1  }
0xbc: {  	_ =	sfence.sel $0xFFFF  }
0xbd: {  	[dreg:$0x0] =	wrdreg $0xFFFFFFFF;
	(pc) =	sbr.abs _section_cstart, $3  }
0xbe: {  	[dreg:$0x1] =	wrdreg $0xFFFFFFFF  }
0xbf: {  	_ =	task.clear_ibuf [dreg:s5], $0x2FFFF;
	_ =	strace $0x9FFFFFFF  }
0xc0: {  	(tm) =	ssettm $0x7FFFFFFF  }
0xc1: {  	_ =	shalt  }
tec
execute0_lowered:
.L_overlay_start_1:
0x0: {  	(tag) =	ssettag $0x1  }
0x1: {  	s1 =	rddreg [dreg:$0x0]  }
0x2: {  	s3 =	rddreg [dreg:$0x1];
	_ =	strace $0x80000047;
	s15 =	stileid.u32  }
0x3: {  	s0 =	simm.s32 $0x1;
	s2 =	smin.u32 s15, $0x8;
	s4 =	sshll.u32 s15, $0x1  }
0x4: {  	[sflag:s0] =	ssyncpa.u1 $0x0;
	s2 =	sadd.s32 s2, s4  }
0x5: {  	v1 =	vimm.s32 $0xFFFFFFFF;
	p0 =	slt.u32 s15, $0x8;
	s5 =	smul.u32 $0x1F40, s2;
	s2 =	simm.s32 $0x5DC0  }
0x6: {  	[tilespmem:$0x10] =	vst v1;
	s2 =	simm.s32 @!p0 $0x3E80  }
0x7: {  	v0 =	vimm.f32 $0.0e+00;
	[tilespmem:$0x20] =	vst v1;
	s2 =	sadd.s32 s2, s5  }
0x8: {  	[tilespmem:$0x30] =	vst v0;
	s6 =	smin.u32 s2, $0x4E200  }
0x9: {  	[tilespmem:$0x40] =	vst v0;
	s2 =	ssub.s32 s6, s5  }
0xa: {  	s30 =	simm.s32 $0x2;
	s8 =	simm.s32 $0x8;
	[tilespmem:$0x50] =	vst v0;
	p0 =	sgt.s32 s2, $0x0  }
0xb: {  	s31 =	simm.s32 $0x9;
	s16 =	simm.s32 $0x0;
	[tilespmem:$0x60] =	vst v1;
	s2 =	simm.s32 @!p0 $0x0  }
0xc: {  	s17 =	simm.s32 $0xF0;
	s18 =	simm.s32 $0xFFFFFFFF;
	[tilespmem:$0x70] =	vst v1;
	s7 =	smulhi.u32 $0x10624DD3, s2  }
0xd: {  	s19 =	simm.s32 $0xFFFFC280;
	s20 =	simm.s32 $0xFFFFFFFE;
	s21 =	simm.s32 $0xF;
	[tilespmem:$0x80] =	vst v1  }
0xe: {  	s25 =	simm.s32 $0x0;
	s24 =	simm.s32 $0x0;
	v1 =	vimm.s32 $0x0;
	[tilespmem:$0xB0] =	vst v0;
	s10 =	sshrl.u32 s7, $0x9  }
0xf: {  	s15 =	sshllo.u32 s15, $0x1;
	s13 =	sor.u32 $0x80, s4;
	[tilespmem:$0x90] =	vst v1;
	s9 =	smul.u32 $0x1F40, s10  }
.Ltmp0:
0x10: {  	[tilespmem:$0xA0] =	vst v1;
	[sflag:s30] =	ssyncpa.u1 $0x0;
	s7 =	simm.s32 $0x7;
	(pc) =	sbr.rel .LBB2_1-.Ltmp0, $4  }
0x11: {  	s14 =	sor.u32 $0x81, s4;
	[sflag:s7] =	ssyncpa.u1 $0x0;
	p0 =	sne.s32 s2, s9  }
0x12: {  	s23 =	smov.u32 s5;
	[sflag:s8] =	ssyncpa.u1 $0x0;
	s0 =	simm.s32 @!p0 $0x0  }
0x13: {  	vm0 =	vmmov $0xffff;
	v2 =	vlaneseq.u32;
	s9 =	sadd.s32 $0x9E00, s3;
	[sflag:s31] =	ssyncpa.u1 $0x0;
	s10 =	sadd.s32 s0, s10  }
0x14: {  	vm1 =	vmxor vm1, vm1;
	vm2 =	vmmov $0x1;
	vm3 =	vcmask $0x3F3C;
	p0 =	por $0x0, $0x0;
	s11 =	sadd.s32 $0x1, s10;
	s12 =	sadd.s32 $0x2, s10  }
.LBB2_9:
0x15: {  	p1 =	slt.u32 s24, $0x3  }
0x16: {  	s0 =	simm.s32 @!p1 $0x2  }
0x17: {  	_ =	swait.ge @!p1 [sflag:s0], $0x1F40  }
0x18: {  	[sflag:s0] =	ssyncset.done @!p1 $0x0  }
0x19: {  	[sflag:s0] =	ssyncadd.s32 @!p1 $0xFFFFE0C0;
	s0 =	simm.s32 @!p1 $0x9  }
0x1a: {  	_ =	swait.ge @!p1 [sflag:s0], $0x10  }
0x1b: {  	[sflag:s0] =	ssyncset.done @!p1 $0x0  }
0x1c: {  	[sflag:s0] =	ssyncadd.s32 @!p1 $0xFFFFFFF0;
	p1 =	sne.s32 s24, s12  }
.Ltmp1:
0x1d: {  	s2 =	sadd.s32 $0x1F40, s23;
	(pc) =	sbr.rel @!p1 .LBB2_10-.Ltmp1, $4  }
0x1e: {  	s22 =	smov.u32 s5;
	s31 =	sadd.s32 $0x1, s24;
	s17 =	sadd.s32 $0x1F40, s17  }
0x1f: {  	s18 =	sadd.s32 $0x1, s18;
	s25 =	smov.u32 s23;
	p2 =	slt.s32 s2, s6  }
0x20: {  	p0 =	por !p0, !p0;
	s19 =	sadd.s32 $0x1F40, s19;
	s22 =	smov.u32 @p2 s2  }
0x21: {  	s20 =	sadd.s32 $0x1, s20;
	s23 =	smov.u32 s22;
	s24 =	smov.u32 s31  }
.LBB2_1:
0x22: {  	p1 =	sge.u32 s24, s10  }
0x23: {  	s0 =	smulhi.u32 @!p1 $0xAAAAAAAB, s24;
	_ =	sdelay $0x1  }
0x24: {  	s0 =	sshrl.u32 @!p1 s0, $0x1  }
0x25: {  	s0 =	smul.u32 @!p1 $0x3, s0;
	_ =	sdelay $0x1  }
0x26: {  	s0 =	ssub.s32 @!p1 s24, s0  }
0x27: {  	s0 =	smul.u32 @!p1 $0x7D00, s0;
	_ =	sdelay $0x1  }
0x28: {  	s2 =	sshrl.u32 @!p1 s23, $0x3;
	s0 =	sshrl.u32 @!p1 s0, $0x2  }
0x29: {  	s22 =	sand.u32 @!p1 $0x7, s23;
	s2 =	sadd.s32 @!p1 s3, s2;
	s0 =	sadd.s32 @!p1 $0x100, s0  }
0x2a: {  	[tilespmem:s0], [sflag:$0x7] =	stream.linear.gather @!p1 [hbm4b:s2+s22], $0x1F40, $0x38;
	[tilespmem:$0x11A60] =	vst v63  }
0x2b: {  	s0 =	sadd.s32 $0xFFFFFFFF, s24  }
0x2c: {  	p1 =	sge.u32 s0, s10  }
.Ltmp2:
0x2d: {  	_ = 	snop;
	(pc) =	sbr.rel @p1 .LBB2_5-.Ltmp2, $1  }
0x2e: {  	_ =	sdelay $0x3  }
0x2f: {  	s2 =	smulhi.u32 $0xAAAAAAAB, s0;
	_ =	sdelay $0x1  }
0x30: {  	s2 =	sshrl.u32 s2, $0x1  }
0x31: {  	s2 =	smul.u32 $0x3, s2;
	_ =	sdelay $0x1  }
0x32: {  	s2 =	ssub.s32 s0, s2  }
0x33: {  	s2 =	smul.u32 $0x7D00, s2  }
0x34: {  	_ =	swait.ge [sflag:s7], $0x1F40  }
0x35: {  	[sflag:s7] =	ssyncset.done $0x0;
	s2 =	sshrl.u32 s2, $0x2  }
0x36: {  	[sflag:s7] =	ssyncadd.s32 $0xFFFFE0C0;
	(ifvalue) =	ssetifvalue $0xFFFFFFFF;
	v3 =	vld.msk [tilespmem:s2+$0x100 ss:$0x1], $0xffff;
	_ =	sdelay $0x2  }
0x37: {  	s30 =	smulhi.u32 $0xAAAAAAAB, s18;
	p1 =	sne.s32 s24, $0x1  }
0x38: {  	v4 =	vimm.s32 @!p1 $0x0  }
0x39: {  	s2 =	sshrl.u32 s30, $0x1;
	v4 =	vperm.xlane @!p1 v3, v4  }
0x3a: {  	s22 =	sshll.u32 s24, $0x4;
	s2 =	smul.u32 $0xFFFE8900, s2;
	vm4 =	vlt.u32 v3, $0x80  }
0x3b: {  	s22 =	sand.u32 $0x10, s22;
	v3 =	vnsel vm4, $0xFFFFFFFE, v3;
	vm4 =	vlt.u32 @!p1 v4, $0x80  }
0x3c: {  	s2 =	sshra.s32 s2, $0x2;
	[tilespmem:s22+$0x60] =	vst v3;
	v3 =	vnsel @!p1 vm4, $0xFFFFFFFE, v4  }
0x3d: {  	s28 =	sadd.s32 s2, s17;
	[tilespmem:$0x80] =	vst @!p1 v3  }
0x3e: {  	v3 =	vld.msk [tilespmem:s28+$0x0 ss:$0x1], $0xffff;
	_ =	sdelay $0x4  }
0x3f: {  	(xrf1) =	vunique.msk.u32 $0xffff, v3;
	_ =	sdelay $0xd  }
0x40: {  	v4 =	vimm.s32 $0xFFFFFFFF;
	v5, _, _ =	vpop (xrf1)  }
0x41: {  	vm5 =	vne.s32 v3, v4;
	vm4 =	veq.s32 v5, v2  }
0x42: {  	vm6 =	vlt.u32 v3, $0x80;
	vm4 =	vmand vm5, vm4  }
0x43: {  	vm4 =	vmand vm6, vm4  }
0x44: {  	v4 =	vnsel vm4, $0xFFFFFFFF, v3  }
0x45: {  	s31 =	sand.u32 $0x1, s0  }
0x46: {  	s0 =	simm.s32 $0x1F40;
	p1 =	seq.s32 s31, $0x1  }
0x47: {  	s0 =	simm.s32 @!p1 $0x0  }
0x48: {  	s26 =	sadd.s32 $0x7DF0, s0;
	(ifvalue) =	ssetifvalue $0xFFFFFFFF  }
0x49: {  	v3 =	vperm.xlane v3, v1;
	[tilespmem:s26], [sflag:$0x8] =	stream.indirect_vreg.gather [hbm4b:s1+s16], $0x1, v4, vm0, $0x4038;
	v4 =	vnsel vm6, $0xFFFFFFFE, v4;
	[tilespmem:$0x11A60] =	vst v63  }
0x4a: {  	s2 =	simm.s32 $0x0;
	s22 =	sadd.s32 $0xFFFFFFF0, s28;
	[tilespmem:s28+$0x0] =	vst v4  }
.LBB2_3:
0x4b: {  	v4 =	vld.msk [tilespmem:s22+$0x0 ss:$0x1], $0xffff;
	s2 =	sadd.s32 $0x10, s2;
	v5 =	vmov v3;
	s28 =	smov.u32 s22  }
0x4c: {  	p1 =	slt.u32 s2, $0x1F30;
	_ =	sdelay $0x4  }
0x4d: {  	v3 =	vperm.xlane v4, v1;
	(xrf1) =	vunique.msk.u32 $0xffff, v4;
	_ =	sdelay $0xd  }
0x4e: {  	v6, _, _ =	vpop (xrf1)  }
0x4f: {  	vm5 =	vne.s32 v4, v5;
	vm4 =	veq.s32 v6, v2  }
0x50: {  	vm6 =	vlt.u32 v4, $0x80;
	vm4 =	vmand vm5, vm4  }
0x51: {  	vm4 =	vmand vm6, vm4  }
0x52: {  	v4 =	vnsel vm4, $0xFFFFFFFF, v4  }
.Ltmp3:
0x53: {  	v5 =	vnsel vm6, $0xFFFFFFFE, v4;
	(pc) =	sbr.rel @p1 .LBB2_3-.Ltmp3, $3  }
0x54: {  	_ =	sdelay $0x1  }
0x55: {  	s22 =	sadd.s32 $0xFFFFFFF0, s22;
	s26 =	sadd.s32 $0xFFFFFFF0, s26;
	(ifvalue) =	ssetifvalue $0xFFFFFFFF  }
0x56: {  	[tilespmem:s26], [sflag:$0x8] =	stream.indirect_vreg.gather [hbm4b:s1+s16], $0x1, v4, vm0, $0x4038;
	[tilespmem:s28+$0x0] =	vst v5  }
0x57: {  	s2 =	sshrl.u32 s25, $0x3  }
0x58: {  	s0 =	sadd.s32 $0x9D40, s0;
	s2 =	sadd.s32 s9, s2  }
0x59: {  	[tilespmem:s0], [sflag:$0x8] =	stream.linear.gather [hbm:s2], $0x1F40, $0x38;
	[tilespmem:$0x11A60] =	vst v63  }
.LBB2_5:
0x5a: {  	p1 =	slt.u32 s24, $0x2  }
0x5b: {  	p2 =	sge.u32 @!p1 s24, s12  }
0x5c: {  	p1 =	por p1, p2  }
.Ltmp4:
0x5d: {  	_ = 	snop;
	(pc) =	sbr.rel @p1 .LBB2_9-.Ltmp4, $1  }
0x5e: {  	_ =	sdelay $0x3  }
0x5f: {  	s0 =	sadd.s32 $0xFFFFFFFE, s24  }
0x60: {  	s2 =	smulhi.u32 $0xAAAAAAAB, s0;
	_ =	sdelay $0x1  }
0x61: {  	s2 =	sshrl.u32 s2, $0x1  }
0x62: {  	s2 =	smul.u32 $0x3, s2;
	_ =	sdelay $0x1  }
0x63: {  	s0 =	ssub.s32 s0, s2  }
0x64: {  	_ =	swait.ge [sflag:s8], $0x3E80;
	s0 =	smul.u32 $0x1F40, s0  }
0x65: {  	p1 =	sne.s32 s24, s11;
	[sflag:s8] =	ssyncset.done $0x0  }
0x66: {  	[sflag:s8] =	ssyncadd.s32 $0xFFFFC180;
	s2 =	sadd.s32 @!p1 $0x203F, s0  }
0x67: {  	[spmem:s14] =	stream.linear.scatter @!p1 [tilespmem:s2], [sflag:$0x1], $0x1, $0x38;
	[tilespmem:$0x11A60] =	vst v63  }
0x68: {  	s2 =	simm.s32 @!p1 $0x1  }
0x69: {  	_ =	swait.ge @!p1 [sflag:s2], $0x1  }
0x6a: {  	s22 =	sshll.u32 s24, $0x4;
	[sflag:s2] =	ssyncset.done @!p1 $0x0  }
0x6b: {  	s25 =	sand.u32 $0x10, s22;
	[sflag:s2] =	ssyncadd.s32 @!p1 $0xFFFFFFFF  }
0x6c: {  	s2 =	sxor.u32 $0x10, s25;
	v4 =	vld [tilespmem:s25+$0x10]  }
0x6d: {  	v5 =	vld [tilespmem:s2+$0x60]  }
0x6e: {  	v3 =	vld [tilespmem:$0x80];
	_ =	sdelay $0x2  }
0x6f: {  	(v2sf) =	vpush v4, $0x0  }
0x70: {  	(v2sf) =	vpush v5, $0x0  }
0x71: {  	(v2sf) =	vpush v3, $0x0;
	_ =	sdelay $0xc  }
0x72: {  	s22 =	spop (v2sf)  }
0x73: {  	s26 =	spop (v2sf)  }
0x74: {  	s28 =	spop (v2sf)  }
0x75: {  	p2 =	seq.s32 s22, s26;
	p3 =	seq.s32 s28, s22  }
0x76: {  	p3 =	por p2, p3  }
0x77: {  	s26 =	sand.u32 $0x1, s24;
	v4 =	vpsel p3, $0xFFFFFFFF, v4  }
0x78: {  	s29 =	smul.u32 $0x1F40, s26;
	[tilespmem:s25+$0x10] =	vst.msk $0x1, v4  }
0x79: {  	v4 =	vld [tilespmem:$0x30]  }
0x7a: {  	v5 =	vld [tilespmem:s29+$0x9D40]  }
0x7b: {  	v6 =	vld [tilespmem:s25+$0x40];
	_ =	sdelay $0x3  }
0x7c: {  	vm4 =	vmmov vm1;
	v5 =	vadd.f32 v5, v4  }
0x7d: {  	vm5 =	vmmov vm2;
	vm4 =	vmmov @p2 vm2;
	s22 =	sshll.u32 s26, $0x4;
	v4 =	vadd.f32 v6, v4  }
0x7e: {  	s26 =	sor.u32 $0x11A40, s22;
	vm5 =	vmmov @p3 vm1;
	[tilespmem:s29+$0x9D40] =	vst.msk vm4, v5  }
0x7f: {  	[tilespmem:s26+$0x0] =	vst.msk vm5, v4  }
0x80: {  	v4 =	vld [tilespmem:s29+$0x7DF0];
	_ =	sdelay $0x3  }
0x81: {  	v5 =	vimm.f32 $0.0e+00  }
0x82: {  	v4 =	vshift.insert v4, v5, s21  }
0x83: {  	s22 =	sor.u32 $0x40, s2  }
0x84: {  	[tilespmem:s22+$0x0] =	vst.msk $0x1, v4  }
0x85: {  	[tilespmem:s29+$0x7DFF] =	vst.msk $0x1, v5  }
0x86: {  	v4 =	vld [tilespmem:s0+$0x2030];
	_ =	sdelay $0x1  }
0x87: {  	s22 =	smulhi.u32 $0xAAAAAAAB, s20;
	s0 =	simm.s32 $0x1  }
0x88: {  	s0 =	simm.s32 @!p0 $0x0  }
0x89: {  	s22 =	sshrl.u32 s22, $0x1;
	s0 =	smul.u32 $0x7D00, s0  }
0x8a: {  	s22 =	smul.u32 $0xFFFE8900, s22;
	v4 =	vshift.insert v4, v1, s21  }
0x8b: {  	s0 =	sshrl.u32 s0, $0x2  }
0x8c: {  	s22 =	sshra.s32 s22, $0x2;
	s30 =	sadd.s32 $0x9D40, s0;
	[tilespmem:s2+$0x10] =	vst.msk $0x1, v4  }
0x8d: {  	s22 =	sadd.s32 s22, s19;
	v6 =	vld [tilespmem:s30+$0x0]  }
0x8e: {  	v7 =	vld [tilespmem:s22+$0x0];
	_ =	sdelay $0x3  }
0x8f: {  	v5 =	vadd.f32 v6, v5  }
0x90: {  	vm4 =	vne.s32 v7, $0xFFFFFFFF  }
0x91: {  	(xrf2) =	vadd.seg.scan.f32 vm4, v5;
	_ =	sdelay $0x3  }
0x92: {  	s31 =	sadd.s32 $0x5EC0, s0;
	v5 =	vperm.xlane v4, v1  }
0x93: {  	v6 =	vld [tilespmem:s31+$0x0]  }
0x94: {  	vm5 =	veq.s32 v7, v3;
	vm6 =	veq.s32 v7, v5  }
0x95: {  	vm7 =	vgt.u32 v7, $0xFFFFFFFD;
	vm6 =	vmor vm6, vm5  }
0x96: {  	vm6 =	vmor vm6, vm7  }
0x97: {  	v9 =	vld [tilespmem:$0xA0];
	v7 =	vsel vm6, $0xFFFFFFFF, v7  }
0x98: {  	v10 =	vld [tilespmem:$0x90];
	v6 =	vsel vm5, $0x0, v6;
	v8, _, _ =	vpop (xrf2)  }
0x99: {  	v6 =	vadd.f32 v8, v6  }
0x9a: {  	s0 =	sadd.s32 $0xDBC0, s0  }
0x9b: {  	vm4 =	vmand vm4, vm3;
	[tilespmem:s0+$0x0] =	vst v6;
	(ifvalue) =	ssetifvalue $0xFFFFFFFF  }
0x9c: {  	vm6 =	veq.s32 v9, $0x1;
	[hbm4b:s1+s16] =	stream.indirect_vreg.scatter [tilespmem:s0], [sflag:$0x2], $0x1, v7, vm0, $0x4038;
	v7 =	vsel vm4, $0x0, v8;
	[tilespmem:$0x11A60] =	vst v63  }
0x9d: {  	s2 =	simm.s32 $0x0;
	s22 =	sadd.s32 $0x10, s22;
	vm4 =	vmor vm6, vm5;
	v6 =	vsel vm5, v8, v10;
	v7 =	vshift.insert v7, v0, s21  }
.LBB2_7:
0x9e: {  	v8 =	vld [tilespmem:s22+$0x0];
	s30 =	sadd.s32 $0x10, s30  }
0x9f: {  	s31 =	sadd.s32 $0x10, s31;
	v9 =	vld [tilespmem:s30+$0x0]  }
0xa0: {  	s2 =	sadd.s32 $0x10, s2;
	v10 =	vld [tilespmem:s31+$0x0]  }
0xa1: {  	p2 =	slt.u32 s2, $0x1F30;
	_ =	sdelay $0x2  }
0xa2: {  	v7 =	vadd.f32 v9, v7  }
0xa3: {  	vm5 =	vne.s32 v8, $0xFFFFFFFF  }
0xa4: {  	vm6 =	vmand vm5, vm3;
	(xrf2) =	vadd.seg.scan.f32 vm5, v7;
	_ =	sdelay $0x5  }
0xa5: {  	vm7 =	veq.s32 v8, v5;
	vm5 =	veq.s32 v8, v3  }
0xa6: {  	vm8 =	vgt.u32 v8, $0xFFFFFFFD;
	vm4 =	vmor vm4, vm5;
	vm7 =	vmor vm7, vm5  }
0xa7: {  	vm7 =	vmor vm7, vm8  }
0xa8: {  	v8 =	vsel vm7, $0xFFFFFFFF, v8  }
.Ltmp5:
0xa9: {  	v7 =	vsel vm5, $0x0, v10;
	v9, _, _ =	vpop (xrf2);
	(pc) =	sbr.rel @p2 .LBB2_7-.Ltmp5, $4  }
0xaa: {  	v6 =	vsel vm5, v9, v6;
	v10 =	vadd.f32 v9, v7;
	v7 =	vsel vm6, $0x0, v9  }
0xab: {  	s0 =	sadd.s32 $0x10, s0;
	v7 =	vshift.insert v7, v0, s21  }
0xac: {  	s22 =	sadd.s32 $0x10, s22;
	[tilespmem:s0+$0x0] =	vst v10;
	(ifvalue) =	ssetifvalue $0xFFFFFFFF  }
0xad: {  	[hbm4b:s1+s16] =	stream.indirect_vreg.scatter [tilespmem:s0], [sflag:$0x2], $0x1, v8, vm0, $0x4038;
	[tilespmem:$0x11A60] =	vst v63  }
0xae: {  	v3 =	vld [tilespmem:s29+$0xFAF0];
	_ =	sdelay $0x4  }
0xaf: {  	v3 =	vshift.insert v3, v0, s21  }
0xb0: {  	s0 =	simm.s32 $0x30  }
0xb1: {  	[tilespmem:s0+$0x0] =	vst.msk $0x1, v3  }
0xb2: {  	v3 =	vsel vm4, $0x1, v1;
	[tilespmem:$0x90] =	vst v6  }
0xb3: {  	s0 =	sadd.s32 @!p1 $0xFAFF, s29;
	[tilespmem:$0xA0] =	vst v3  }
0xb4: {  	[spmem:s15] =	stream.linear.scatter @!p1 [tilespmem:s0], [sflag:$0x1], $0x1, $0x38;
	[tilespmem:$0x11A60] =	vst v63  }
0xb5: {  	s0 =	simm.s32 @!p1 $0x1  }
0xb6: {  	v3 =	vmctz.xlane @!p1 vm4;
	_ =	swait.ge @!p1 [sflag:s0], $0x1  }
0xb7: {  	(v2sf) =	vpush @!p1 v4, $0x0  }
0xb8: {  	(v2sf) =	vpush @!p1 v3, $0x0;
	_ =	sdelay $0xd  }
0xb9: {  	s2 =	spop @!p1 (v2sf)  }
0xba: {  	s22 =	spop @!p1 (v2sf)  }
0xbb: {  	p2 =	sne.s32 @!p1 s28, s2;
	p3 =	slt.s32 @!p1 s22, $0xF  }
0xbc: {  	[sflag:s0] =	ssyncset.done @!p1 $0x0;
	p2 =	por p2, p1;
	p3 =	por !p3, p1  }
0xbd: {  	[sflag:s0] =	ssyncadd.s32 @!p1 $0xFFFFFFFF;
	v3 =	vimm.s32 @!p2 $0xFFFFFFFF;
	s22 =	simm.s32 @p3 $0xF  }
0xbe: {  	[tilespmem:$0x80] =	vst @!p2 v3;
	s2 =	sadd.s32 @!p1 $0x90, s22  }
0xbf: {  	[spmem:s4] =	stream.linear.scatter @!p1 [tilespmem:s2], [sflag:$0x1], $0x1, $0x38;
	[tilespmem:$0x11A60] =	vst v63  }
0xc0: {  	_ =	swait.ge @!p1 [sflag:s0], $0x1  }
0xc1: {  	[sflag:s0] =	ssyncset.done @!p1 $0x0  }
0xc2: {  	s2 =	simm.s32 @!p1 $0x80;
	[sflag:s0] =	ssyncadd.s32 @!p1 $0xFFFFFFFF  }
0xc3: {  	[spmem:s13] =	stream.linear.scatter @!p1 [tilespmem:s2], [sflag:$0x1], $0x1, $0x38;
	[tilespmem:$0x11A60] =	vst v63  }
0xc4: {  	_ =	swait.ge @!p1 [sflag:s0], $0x1  }
0xc5: {  	[sflag:s0] =	ssyncset.done @!p1 $0x0  }
0xc6: {  	[sflag:s0] =	ssyncadd.s32 @!p1 $0xFFFFFFFF;
	(ifvalue) =	ssetifvalue $0xFFFFFFFF;
	v3 =	vld [tilespmem:s25+$0x10];
	_ =	sdelay $0x3  }
.Ltmp6:
0xc7: {  	_ = 	snop;
	(pc) =	sbr.rel .LBB2_9-.Ltmp6, $3  }
0xc8: {  	_ =	sdelay $0x1  }
0xc9: {  	(ifvalue) =	ssetifvalue $0xFFFFFFFF  }
0xca: {  	[hbm4b:s1+s16] =	stream.indirect_vreg.scatter [tilespmem:s26], [sflag:$0x9], $0x1, v3, vm0, $0x4038;
	[tilespmem:$0x11A60] =	vst v63  }
.LBB2_10:
0xcb: {  	_ =	sfence.sel $0x180000  }
0xcc: {  	s0 =	simm.s32 $0x7;
	[bflag:$0x0] =	sbarrier.arrive $0xFFFF  }
0xcd: {  	s26 =	simm.s32 $0x8;
	[sflag:s0] =	ssyncpa.u1 $0x1  }
0xce: {  	s28 =	simm.s32 $0x9;
	[sflag:s26] =	ssyncpa.u1 $0x1  }
0xcf: {  	[sflag:s28] =	ssyncpa.u1 $0x1  }
0xd0: {  	_ =	sfence.stream.spmem  }
0xd1: {  	s29 =	simm.s32 $0x3;
	[bflag:$0x0] =	sbarrier.arrive $0xFFFF  }
0xd2: {  	s30 =	simm.s32 $0x4;
	[sflag:s29] =	ssyncpa.u1 $0x1  }
0xd3: {  	s31 =	simm.s32 $0x3C;
	s2 =	stileid.u32;
	[sflag:s30] =	ssyncpa.u1 $0x1  }
0xd4: {  	p0 =	sne.s32 s2, $0x0;
	[sflag:s31] =	ssyncpa.u1 $0x1  }
0xd5: {  	s0 =	simm.s32 @p0 $0x1;
	_ =	sfence @p0  }
0xd6: {  	[sflag:s0] =	ssyncpa.u1 @p0 $0x1;
	s0 =	simm.s32 @p0 $0x2  }
0xd7: {  	[sflag:s0] =	ssyncpa.u1 @p0 $0x1  }
0xd8: {  	_ =	strace @p0 $0x90000047  }
0xd9: {  	[bflag:$0x2] =	sbarrier.arrive @p0 $0xFFFF  }
0xda: {  	_ =	shalt @p0  }
.LBB2_11:
0xdb: {  	_ =	sfence.stream.spmem;
	s0 =	simm.s32 $0x5  }
0xdc: {  	s2 =	simm.s32 $0x80;
	s3 =	simm.s32 $0xC0;
	[sflag:s0] =	ssyncpa.u1 $0x0  }
0xdd: {  	[tilespmem:s3], [sflag:$0x5] =	stream.linear.gather [spmem:s2], $0x20, $0x38;
	[tilespmem:$0x11A60] =	vst v63  }
0xde: {  	s2 =	simm.s32 $0x0;
	s3 =	simm.s32 $0xE0  }
0xdf: {  	[tilespmem:s3], [sflag:$0x5] =	stream.linear.gather [spmem:s2], $0x20, $0x38;
	[tilespmem:$0x11A60] =	vst v63  }
.Ltmp7:
0xe0: {  	_ = 	snop;
	(pc) =	sbr.rel .LBB2_12-.Ltmp7, $4  }
0xe1: {  	_ =	swait.ge [sflag:s0], $0x40  }
0xe2: {  	[sflag:s0] =	ssyncset.done $0x0  }
0xe3: {  	s31 =	simm.s32 $0x6;
	[sflag:s0] =	ssyncadd.s32 $0xFFFFFFC0  }
0xe4: {  	s4 =	simm.s32 $0x0;
	[sflag:s31] =	ssyncpa.u1 $0x0  }
.LBB2_17:
0xe5: {  	p0 =	sgt.u32 s5, $0x7F  }
0xe6: {  	s0 =	sshrl.u32 @!p0 s5, $0x3  }
0xe7: {  	s5 =	sand.u32 @!p0 $0x7, s5;
	s6 =	simm.s32 @!p0 $0xB0;
	s0 =	sadd.s32 @!p0 s1, s0  }
0xe8: {  	[tilespmem:s6], [sflag:$0x6] =	stream.linear.gather @!p0 [hbm4b:s0+s5], $0x1, $0x38;
	[tilespmem:$0x11A60] =	vst v63  }
0xe9: {  	s0 =	simm.s32 @!p0 $0x6  }
0xea: {  	_ =	swait.ge @!p0 [sflag:s0], $0x1  }
0xeb: {  	[sflag:s0] =	ssyncset.done @!p0 $0x0  }
0xec: {  	[sflag:s0] =	ssyncadd.s32 @!p0 $0xFFFFFFFF  }
0xed: {  	v2 =	vmov @!p0 s4;
	v1 =	vld.msk @!p0 [tilespmem:$0xB0], $0x1;
	_ =	sdelay $0x3  }
0xee: {  	s0 =	simm.s32 @!p0 $0xE0  }
0xef: {  	[tilespmem:v2+s0+$0x0], v1 =	vst.idx.ret.add.f32.msk @!p0 $0x1, v1  }
0xf0: {  	[tilespmem:s2+$0xC0] =	vst.msk $0x1, v0  }
0xf1: {  	v0 =	vld.msk [tilespmem:s4+$0xE0], $0x1;
	_ =	sdelay $0x4  }
0xf2: {  	[tilespmem:s2+$0xE0] =	vst.msk $0x1, v0;
	s2 =	sadd.s32 $0x1, s2  }
.LBB2_19:
0xf3: {  	s4 =	sadd.s32 $0x1, s4  }
0xf4: {  	p0 =	sne.s32 s4, $0x20  }
.Ltmp8:
0xf5: {  	_ = 	snop;
	(pc) =	sbr.rel @!p0 .LBB2_20-.Ltmp8, $1  }
0xf6: {  	_ =	sdelay $0x3  }
.LBB2_12:
0xf7: {  	v0 =	vld.msk [tilespmem:s4+$0xC0], $0x1;
	_ =	sdelay $0x4  }
0xf8: {  	(v2sf) =	vpush v0, $0x0;
	_ =	sdelay $0xe  }
0xf9: {  	s5 =	spop (v2sf)  }
0xfa: {  	p0 =	seq.s32 s5, $0xFFFFFFFF  }
.Ltmp9:
0xfb: {  	_ = 	snop;
	(pc) =	sbr.rel @p0 .LBB2_19-.Ltmp9, $1  }
0xfc: {  	_ =	sdelay $0x3  }
0xfd: {  	p0 =	slt.s32 s2, $0x1  }
.Ltmp10:
0xfe: {  	_ = 	snop;
	(pc) =	sbr.rel @p0 .LBB2_17-.Ltmp10, $1  }
0xff: {  	_ =	sdelay $0x3  }
0x100: {  	s0 =	simm.s32 $0xC0;
	p0 =	por $0x0, $0x0  }
0x101: {  	v1 =	vld.msk @!p0 [tilespmem:s0+$0x0], $0x1;
	_ =	sdelay $0x4  }
0x102: {  	(v2sf) =	vpush @!p0 v1, $0x0;
	_ =	sdelay $0xd  }
0x103: {  	p2 =	sne.s32 s2, $0x1  }
.Ltmp11:
0x104: {  	s6 =	spop @!p0 (v2sf);
	(pc) =	sbr.rel @!p2 .LBB2_16-.Ltmp11, $4  }
0x105: {  	p1 =	seq.s32 @!p0 s5, s6  }
0x106: {  	s6 =	simm.s32 $0x0;
	p1 =	por !p1, p0  }
0x107: {  	s8 =	simm.s32 $0xFFFFFFFF;
	s6 =	simm.s32 @p1 $0xFFFFFFFF  }
0x108: {  	s7 =	simm.s32 $0x1;
	s6 =	smov.u32 @p0 s8  }
.LBB2_15:
0x109: {  	s8 =	smov.u32 s6;
	p0 =	sne.s32 s6, $0xFFFFFFFF  }
0x10a: {  	s0 =	sadd.s32 $0x1, s0;
	s6 =	smov.u32 s7;
	s7 =	sadd.s32 $0x1, s7  }
0x10b: {  	p1 =	sne.s32 s2, s7;
	v1 =	vld.msk @!p0 [tilespmem:s0+$0x0], $0x1;
	_ =	sdelay $0x4  }
0x10c: {  	(v2sf) =	vpush @!p0 v1, $0x0;
	_ =	sdelay $0xe  }
.Ltmp12:
0x10d: {  	s9 =	spop @!p0 (v2sf);
	(pc) =	sbr.rel @p1 .LBB2_15-.Ltmp12, $4  }
0x10e: {  	p2 =	seq.s32 @!p0 s5, s9  }
0x10f: {  	p2 =	por !p2, p0  }
0x110: {  	s6 =	simm.s32 @p2 $0xFFFFFFFF  }
0x111: {  	s6 =	smov.u32 @p0 s8  }
.LBB2_16:
0x112: {  	p0 =	sne.s32 s6, $0xFFFFFFFF  }
.Ltmp13:
0x113: {  	_ = 	snop;
	(pc) =	sbr.rel @!p0 .LBB2_17-.Ltmp13, $1  }
0x114: {  	_ =	sdelay $0x3  }
0x115: {  	v0 =	vld.msk [tilespmem:s4+$0xE0], $0x1;
	v1 =	vmov s6  }
.Ltmp14:
0x116: {  	_ = 	snop;
	(pc) =	sbr.rel .LBB2_19-.Ltmp14, $2  }
0x117: {  	_ =	sdelay $0x2  }
0x118: {  	[tilespmem:v1+s3+$0x0], v0 =	vst.idx.ret.add.f32.msk $0x1, v0  }
.LBB2_20:
0x119: {  	p0 =	slt.s32 s2, $0x1  }
.Ltmp15:
0x11a: {  	_ = 	snop;
	(pc) =	sbr.rel @p0 .LBB2_24-.Ltmp15, $3  }
0x11b: {  	_ =	sdelay $0x1  }
0x11c: {  	s0 =	simm.s32 $0x6  }
0x11d: {  	s3 =	simm.s32 $0x0;
	[sflag:s0] =	ssyncpa.u1 $0x1  }
0x11e: {  	s0 =	simm.s32 $0xC0  }
0x11f: {  	v0 =	vld.msk [tilespmem:s0+$0x0], $0x1;
	_ =	sdelay $0x4  }
0x120: {  	(v2sf) =	vpush v0, $0x0;
	_ =	sdelay $0xe  }
0x121: {  	s2 =	sadd.s32 $0xFFFFFFFF, s2;
	s4 =	spop (v2sf)  }
0x122: {  	p1 =	sne.s32 s2, $0x0;
	p0 =	sgt.u32 s4, $0x7F  }
.Ltmp16:
0x123: {  	s5 =	sshrl.u32 @!p0 s4, $0x3;
	(pc) =	sbr.rel @!p1 .LBB2_23-.Ltmp16, $4  }
0x124: {  	s0 =	simm.s32 $0xE0;
	s4 =	sand.u32 @!p0 $0x7, s4;
	s5 =	sadd.s32 @!p0 s1, s5  }
0x125: {  	[hbm4b:s5+s4] =	stream.linear.scatter @!p0 [tilespmem:s0], [sflag:$0x5], $0x1, $0x38;
	[tilespmem:$0x11A60] =	vst v63  }
0x126: {  	s5 =	simm.s32 $0x0  }
0x127: {  	s4 =	simm.s32 $0xC1;
	s5 =	simm.s32 @!p0 $0x4  }
.LBB2_22:
0x128: {  	v0 =	vld.msk [tilespmem:s4+$0x0], $0x1;
	s2 =	sadd.s32 $0xFFFFFFFF, s2;
	s3 =	sadd.s32 s3, s5  }
0x129: {  	p0 =	sne.s32 s2, $0x0;
	_ =	sdelay $0x3  }
0x12a: {  	(v2sf) =	vpush v0, $0x0;
	_ =	sdelay $0xe  }
.Ltmp17:
0x12b: {  	s6 =	spop (v2sf);
	(pc) =	sbr.rel @p0 .LBB2_22-.Ltmp17, $4  }
0x12c: {  	s5 =	simm.s32 $0x0;
	p1 =	sgt.u32 s6, $0x7F  }
0x12d: {  	s0 =	sadd.s32 $0x1, s0;
	s5 =	simm.s32 @!p1 $0x4;
	s7 =	sshrl.u32 @!p1 s6, $0x3  }
0x12e: {  	s4 =	sadd.s32 $0x1, s4;
	s6 =	sand.u32 @!p1 $0x7, s6;
	s7 =	sadd.s32 @!p1 s1, s7  }
0x12f: {  	[hbm4b:s7+s6] =	stream.linear.scatter @!p1 [tilespmem:s0], [sflag:$0x5], $0x1, $0x38;
	[tilespmem:$0x11A60] =	vst v63  }
.LBB2_23:
0x130: {  	s0 =	sadd.s32 s3, s5  }
0x131: {  	s3 =	sshrl.u32 s0, $0x2  }
.LBB2_24:
0x132: {  	s0 =	simm.s32 $0x5  }
0x133: {  	_ =	swait.ge [sflag:s0], s3  }
0x134: {  	s1 =	ssub.s32 $0x0, s3;
	[sflag:s0] =	ssyncset.done $0x0  }
0x135: {  	[sflag:s0] =	ssyncadd.s32 s1  }
0x136: {  	[sflag:s0] =	ssyncpa.u1 $0x1  }
0x137: {  	s29 =	simm.s32 $0x1;
	_ =	sfence  }
0x138: {  	s30 =	simm.s32 $0x2;
	[sflag:s29] =	ssyncpa.u1 $0x1  }
0x139: {  	[sflag:s30] =	ssyncpa.u1 $0x1  }
0x13a: {  	_ =	strace $0x90000047  }
0x13b: {  	[bflag:$0x2] =	sbarrier.arrive $0xFFFF  }
0x13c: {  	s31 =	rddreg [dreg:$0x2]  }
0x13d: {  	s0 =	sadd.s32 $0x100000, s31  }
0x13e: {  	[sflag:s0] =	ssyncadd.tile.s32 $0x1;
	_ =	shalt  }
.Lfunc_end2:
_tile_overlayer_lowered:
.L_overlay_start_2:
0x13f: {  	(tag) =	ssettag $0x2  }
0x140: {  	s0 =	rddreg [dreg:$0x0];
	s2 =	stileid.u32  }
0x141: {  	s1 =	rddreg [dreg:$0x1];
	p0 =	sne.s32 s2, $0x0  }
0x142: {  	s3 =	rddreg [dreg:$0x2];
	[bflag:$0x3] =	sbarrier.arrive $0xFFFF;
	s2 =	simm.s32 @!p0 $0x1C01  }
0x143: {  	[timem:s3], [sflag:s2] =	dma.local @!p0 [hbm:s0], s1  }
0x144: {  	s0 =	simm.s32 @!p0 $0x1  }
0x145: {  	_ =	swait.ge @!p0 [sflag:s0], s1  }
0x146: {  	s1 =	ssub.s32 @!p0 $0x0, s1;
	[sflag:s0] =	ssyncset.done @!p0 $0x0  }
0x147: {  	[sflag:s0] =	ssyncadd.s32 @!p0 s1  }
0x148: {  	[bflag:$0x3] =	sbarrier.arrive $0xFFFF  }
0x149: {  	_ =	shalt  }

</sc_bundles>
